<compile_context>
chip_gen: v7x
topology: tpu7x:2x2x1
jax: 0.10.2.dev20260603
libtpu: 0.0.44.dev20260713+nightly
codegen_flags: <defaults>
</compile_context>

<pallas_src>
import functools

import jax
import jax.numpy as jnp
from jax import lax
from jax.experimental import pallas as pl
from jax.experimental.pallas import tpu as pltpu
from jax.experimental.pallas import tpu_sc as plsc

BATCH = 16384
FIELD = 32
EMB_DIM = 64
NIDX = 3 * FIELD
OUT_D = NIDX * EMB_DIM
TOTAL = BATCH * NIDX
CHUNK = 128
NROWS = TOTAL // CHUNK
NW = 32
ROWS_PER_W = NROWS // NW
GPC = 4
SC_ROWS = CHUNK * GPC
NSC = ROWS_PER_W // GPC
NSTEP = NSC // 2


def _make_kernel():
    mesh = plsc.VectorSubcoreMesh(
        core_axis_name="c", subcore_axis_name="s", num_cores=2, num_subcores=16
    )

    @functools.partial(
        pl.kernel,
        out_type=jax.ShapeDtypeStruct((TOTAL, EMB_DIM), jnp.float32),
        mesh=mesh,
        scratch_types=[
            pltpu.VMEM((ROWS_PER_W, CHUNK), jnp.int32),
            pltpu.VMEM((2, SC_ROWS, EMB_DIM), jnp.float32),
            pltpu.VMEM_SHARED((1000, EMB_DIM), jnp.float32),
            pltpu.SemaphoreType.DMA,
            pltpu.SemaphoreType.DMA,
            pltpu.SemaphoreType.DMA,
            pltpu.SemaphoreType.DMA,
        ],
        compiler_params=pltpu.CompilerParams(use_tc_tiling_on_sc=False),
    )
    def gather_kernel(
        idx_hbm, table_hbm, out_hbm, idx_v, rows_v, tab_sh, g0, g1, s0, s1
    ):
        sid = lax.axis_index("s")
        wid = sid * 2 + lax.axis_index("c")
        base = wid * ROWS_PER_W
        out_base = wid * NSC

        pltpu.sync_copy(table_hbm, tab_sh)
        pltpu.sync_copy(idx_hbm.at[pl.ds(base, ROWS_PER_W), :], idx_v)
        plsc.subcore_barrier()

        def step_body(c, carry):
            buf = rows_v.at[0]
            out_slc = out_hbm.at[pl.ds((out_base + c) * SC_ROWS, SC_ROWS), :]
            handles = [
                pltpu.async_copy(
                    tab_sh.at[idx_v.at[c * GPC + k]],
                    rows_v.at[0, pl.ds(k * CHUNK, CHUNK), :],
                    g0,
                )
                for k in range(GPC)
            ]
            for h in handles:
                h.wait()
            pltpu.sync_copy(buf, out_slc)
            return carry

        lax.fori_loop(0, NSC, step_body, 0, unroll=False)

    return gather_kernel


_gather = _make_kernel()


def kernel(xys, xylens, rgbs, embedding):
    if xys.ndim == 3:
        xys = xys.reshape(xys.shape[0], -1)
    if xylens.ndim == 3:
        xylens = xylens.reshape(xylens.shape[0], -1)
    if rgbs.ndim == 3:
        rgbs = rgbs.reshape(rgbs.shape[0], -1)
    everything = jnp.concatenate((xys, xylens, rgbs), axis=-1)
    idx = everything.reshape(NROWS, CHUNK)
    out = _gather(idx, embedding)
    return out.reshape(xys.shape[0], -1)

# --- scband reference (transcript-rebuilt; emitter-appended) ---
"""Pipeline reference for scband-t-r-c-x-embedding-48868137894502 (READ-ONLY COPY).

The authoritative reference and input builder live on the scoring server;
editing this copy changes nothing except your own understanding.
"""

import jax, jax.numpy as jnp
import numpy as np

BATCH = 16384
FIELD = 32
VOCAB = 1000
EMB_DIM = 64  # output_dim // xy_nums = 512 // 8


def setup_inputs(seed: int = 0) -> dict:
    key = jax.random.key(seed)
    k1, k2, k3, k4 = jax.random.split(key, 4)
    xys = jax.random.randint(k1, (BATCH, FIELD), 0, VOCAB, dtype=jnp.int32)
    xylens = jax.random.randint(k2, (BATCH, FIELD), 0, VOCAB, dtype=jnp.int32)
    rgbs = jax.random.randint(k3, (BATCH, FIELD), 0, VOCAB, dtype=jnp.int32)
    embedding = jax.random.normal(k4, (VOCAB, EMB_DIM), dtype=jnp.float32) * 0.02
    return {"xys": xys, "xylens": xylens, "rgbs": rgbs, "embedding": embedding}


def reference(xys, xylens, rgbs, embedding):
    # Flatten any 3-D index tensors to 2-D (matches torch .view(B, N*C))
    if xys.ndim == 3:
        B, N, C = xys.shape
        xys = xys.reshape(B, N * C)
    if rgbs.ndim == 3:
        B, N, C = rgbs.shape
        rgbs = rgbs.reshape(B, N * C)
    if xylens.ndim == 3:
        B, N, C = xylens.shape
        xylens = xylens.reshape(B, N * C)
    everything = jnp.concatenate((xys, xylens, rgbs), axis=-1)
    # embedding lookup (gather) then flatten per row
    out = jnp.take(embedding, everything, axis=0)
    out = out.reshape(xys.shape[0], -1)
    return out

if __name__ == "__main__":
    import jax
    _d = setup_inputs()
    print(jax.jit(kernel)(*tuple(_d.values())))

</pallas_src>

<mosaic_0001>
#map = affine_map<(d0, d1) -> (0, 0)>
module attributes {stable_mosaic.version = 14 : i64} {
  func.func @gather_kernel(%arg0: i32, %arg1: i32, %arg2: memref<12288x128xi32, #tpu.memory_space<hbm>>, %arg3: memref<1000x64xf32, #tpu.memory_space<hbm>>, %arg4: memref<1572864x64xf32, #tpu.memory_space<hbm>>, %arg5: memref<384x128xi32, #tpu.memory_space<vmem>>, %arg6: memref<2x512x64xf32, #tpu.memory_space<vmem>>, %arg7: memref<1000x64xf32, #tpu.memory_space<vmem_shared>>, %arg8: memref<!tpu.dma_semaphore, #tpu.memory_space<semaphore_mem>>, %arg9: memref<!tpu.dma_semaphore, #tpu.memory_space<semaphore_mem>>, %arg10: memref<!tpu.dma_semaphore, #tpu.memory_space<semaphore_mem>>, %arg11: memref<!tpu.dma_semaphore, #tpu.memory_space<semaphore_mem>>) attributes {dimension_semantics = [#tpu.dimension_semantics<core_parallel>, #tpu.dimension_semantics<subcore_parallel>], iteration_bounds = array<i64: 2, 16>, scalar_prefetch = 0 : i64, scratch_operands = 7 : i64, tpu.core_type = #tpu.core_type<sc_vector_subcore>, window_params = [{transform_indices = #map}, {transform_indices = #map}, {transform_indices = #map}]} {
    %mul3A = arith.constant 2 : i32
    %mul3A_0 = arith.muli %arg1, %mul3A : i32
    %add3A = arith.addi %mul3A_0, %arg0 : i32
    %mul3A_1 = arith.constant 384 : i32
    %mul3A_2 = arith.muli %add3A, %mul3A_1 : i32
    %mul3A_3 = arith.constant 96 : i32
    %mul3A_4 = arith.muli %add3A, %mul3A_3 : i32
    "tpu.region"() ({
      %run_scoped3A = tpu.sem_alloc : memref<!tpu.dma_semaphore, #tpu.memory_space<semaphore_mem>>
      tpu.enqueue_dma source(%arg3 : memref<1000x64xf32, #tpu.memory_space<hbm>>) target(%arg7 : memref<1000x64xf32, #tpu.memory_space<vmem_shared>>) target_semaphore(%run_scoped3A : memref<!tpu.dma_semaphore, #tpu.memory_space<semaphore_mem>>)
      tpu.wait_dma2 semaphore(%run_scoped3A : memref<!tpu.dma_semaphore, #tpu.memory_space<semaphore_mem>>) src(%arg3 : memref<1000x64xf32, #tpu.memory_space<hbm>>) dst(%arg7 : memref<1000x64xf32, #tpu.memory_space<vmem_shared>>)
      tpu.yield
    }) : () -> ()
    "tpu.region"() ({
      %run_scoped3A = tpu.sem_alloc : memref<!tpu.dma_semaphore, #tpu.memory_space<semaphore_mem>>
      %dma_start3A = arith.constant 0 : i32
      %dma_start3A_10 = tpu.memref_slice %arg2[%mul3A_2, %dma_start3A] : memref<12288x128xi32, #tpu.memory_space<hbm>> -> memref<384x128xi32, #tpu.memory_space<hbm>>
      %dma_start3A_11 = arith.constant 0 : i32
      %dma_start3A_12 = tpu.memref_slice %arg2[%mul3A_2, %dma_start3A_11] : memref<12288x128xi32, #tpu.memory_space<hbm>> -> memref<384x128xi32, #tpu.memory_space<hbm>>
      tpu.enqueue_dma source(%dma_start3A_12 : memref<384x128xi32, #tpu.memory_space<hbm>>) target(%arg5 : memref<384x128xi32, #tpu.memory_space<vmem>>) target_semaphore(%run_scoped3A : memref<!tpu.dma_semaphore, #tpu.memory_space<semaphore_mem>>)
      %dma_wait3A = arith.constant 0 : i32
      %dma_wait3A_13 = tpu.memref_slice %arg2[%mul3A_2, %dma_wait3A] : memref<12288x128xi32, #tpu.memory_space<hbm>> -> memref<384x128xi32, #tpu.memory_space<hbm>>
      %dma_wait3A_14 = arith.constant 0 : i32
      %dma_wait3A_15 = tpu.memref_slice %arg2[%mul3A_2, %dma_wait3A_14] : memref<12288x128xi32, #tpu.memory_space<hbm>> -> memref<384x128xi32, #tpu.memory_space<hbm>>
      tpu.wait_dma2 semaphore(%run_scoped3A : memref<!tpu.dma_semaphore, #tpu.memory_space<semaphore_mem>>) src(%dma_wait3A_15 : memref<384x128xi32, #tpu.memory_space<hbm>>) dst(%arg5 : memref<384x128xi32, #tpu.memory_space<vmem>>)
      tpu.yield
    }) : () -> ()
    %barrier3A = arith.constant 0 : index
    tpu.barrier barrier_id(%barrier3A)
    %scan3A = arith.constant 0 : i32
    %scan3A_5 = arith.constant 0 : i32
    %scan3A_6 = arith.constant 96 : i32
    %scan3A_7 = arith.addi %scan3A_5, %scan3A_6 : i32
    %scan3A_8 = arith.constant 1 : i32
    scf.for %scan3A_10 = %scan3A_5 to %scan3A_7 step %scan3A_8  : i32 {
      %add3A_11 = arith.addi %mul3A_4, %scan3A_10 : i32
      %mul3A_12 = arith.constant 512 : i32
      %mul3A_13 = arith.muli %add3A_11, %mul3A_12 : i32
      %mul3A_14 = arith.constant 4 : i32
      %mul3A_15 = arith.muli %scan3A_10, %mul3A_14 : i32
      %add3A_16 = arith.constant 0 : i32
      %add3A_17 = arith.addi %mul3A_15, %add3A_16 : i32
      %dma_start3A = arith.constant 0 : i32
      %dma_start3A_18 = arith.constant 0 : i32
      %dma_start3A_19 = arith.constant 0 : i32
      %dma_start3A_20 = tpu.memref_slice %arg6[%dma_start3A, %dma_start3A_18, %dma_start3A_19] : memref<2x512x64xf32, #tpu.memory_space<vmem>> -> memref<1x128x64xf32, #tpu.memory_space<vmem>>
      %dma_start3A_21 = tpu.memref_squeeze %dma_start3A_20 : memref<1x128x64xf32, #tpu.memory_space<vmem>> -> memref<128x64xf32, #tpu.memory_space<vmem>>
      %dma_start3A_22 = arith.constant 0 : i32
      %dma_start3A_23 = tpu.memref_slice %arg5[%add3A_17, %dma_start3A_22] : memref<384x128xi32, #tpu.memory_space<vmem>> -> memref<1x128xi32, #tpu.memory_space<vmem>>
      %dma_start3A_24 = tpu.memref_squeeze %dma_start3A_23 : memref<1x128xi32, #tpu.memory_space<vmem>> -> memref<128xi32, #tpu.memory_space<vmem>>
      %dma_start3A_25 = arith.constant 0 : i32
      %dma_start3A_26 = arith.constant 0 : i32
      %dma_start3A_27 = tpu.memref_slice %arg7[%dma_start3A_25, %dma_start3A_26] : memref<1000x64xf32, #tpu.memory_space<vmem_shared>> -> memref<1000x64xf32, #tpu.memory_space<vmem_shared>>
      tpu.enqueue_indirect_dma source(%dma_start3A_27 : memref<1000x64xf32, #tpu.memory_space<vmem_shared>>) target(%dma_start3A_21 : memref<128x64xf32, #tpu.memory_space<vmem>>) offsets(%dma_start3A_24 : memref<128xi32, #tpu.memory_space<vmem>>) semaphore(%arg8 : memref<!tpu.dma_semaphore, #tpu.memory_space<semaphore_mem>>)
      %mul3A_28 = arith.constant 4 : i32
      %mul3A_29 = arith.muli %scan3A_10, %mul3A_28 : i32
      %add3A_30 = arith.constant 1 : i32
      %add3A_31 = arith.addi %mul3A_29, %add3A_30 : i32
      %dma_start3A_32 = arith.constant 0 : i32
      %dma_start3A_33 = arith.constant 128 : i32
      %dma_start3A_34 = arith.constant 0 : i32
      %dma_start3A_35 = tpu.memref_slice %arg6[%dma_start3A_32, %dma_start3A_33, %dma_start3A_34] : memref<2x512x64xf32, #tpu.memory_space<vmem>> -> memref<1x128x64xf32, #tpu.memory_space<vmem>>
      %dma_start3A_36 = tpu.memref_squeeze %dma_start3A_35 : memref<1x128x64xf32, #tpu.memory_space<vmem>> -> memref<128x64xf32, #tpu.memory_space<vmem>>
      %dma_start3A_37 = arith.constant 0 : i32
      %dma_start3A_38 = tpu.memref_slice %arg5[%add3A_31, %dma_start3A_37] : memref<384x128xi32, #tpu.memory_space<vmem>> -> memref<1x128xi32, #tpu.memory_space<vmem>>
      %dma_start3A_39 = tpu.memref_squeeze %dma_start3A_38 : memref<1x128xi32, #tpu.memory_space<vmem>> -> memref<128xi32, #tpu.memory_space<vmem>>
      %dma_start3A_40 = arith.constant 0 : i32
      %dma_start3A_41 = arith.constant 0 : i32
      %dma_start3A_42 = tpu.memref_slice %arg7[%dma_start3A_40, %dma_start3A_41] : memref<1000x64xf32, #tpu.memory_space<vmem_shared>> -> memref<1000x64xf32, #tpu.memory_space<vmem_shared>>
      tpu.enqueue_indirect_dma source(%dma_start3A_42 : memref<1000x64xf32, #tpu.memory_space<vmem_shared>>) target(%dma_start3A_36 : memref<128x64xf32, #tpu.memory_space<vmem>>) offsets(%dma_start3A_39 : memref<128xi32, #tpu.memory_space<vmem>>) semaphore(%arg8 : memref<!tpu.dma_semaphore, #tpu.memory_space<semaphore_mem>>)
      %mul3A_43 = arith.constant 4 : i32
      %mul3A_44 = arith.muli %scan3A_10, %mul3A_43 : i32
      %add3A_45 = arith.constant 2 : i32
      %add3A_46 = arith.addi %mul3A_44, %add3A_45 : i32
      %dma_start3A_47 = arith.constant 0 : i32
      %dma_start3A_48 = arith.constant 256 : i32
      %dma_start3A_49 = arith.constant 0 : i32
      %dma_start3A_50 = tpu.memref_slice %arg6[%dma_start3A_47, %dma_start3A_48, %dma_start3A_49] : memref<2x512x64xf32, #tpu.memory_space<vmem>> -> memref<1x128x64xf32, #tpu.memory_space<vmem>>
      %dma_start3A_51 = tpu.memref_squeeze %dma_start3A_50 : memref<1x128x64xf32, #tpu.memory_space<vmem>> -> memref<128x64xf32, #tpu.memory_space<vmem>>
      %dma_start3A_52 = arith.constant 0 : i32
      %dma_start3A_53 = tpu.memref_slice %arg5[%add3A_46, %dma_start3A_52] : memref<384x128xi32, #tpu.memory_space<vmem>> -> memref<1x128xi32, #tpu.memory_space<vmem>>
      %dma_start3A_54 = tpu.memref_squeeze %dma_start3A_53 : memref<1x128xi32, #tpu.memory_space<vmem>> -> memref<128xi32, #tpu.memory_space<vmem>>
      %dma_start3A_55 = arith.constant 0 : i32
      %dma_start3A_56 = arith.constant 0 : i32
      %dma_start3A_57 = tpu.memref_slice %arg7[%dma_start3A_55, %dma_start3A_56] : memref<1000x64xf32, #tpu.memory_space<vmem_shared>> -> memref<1000x64xf32, #tpu.memory_space<vmem_shared>>
      tpu.enqueue_indirect_dma source(%dma_start3A_57 : memref<1000x64xf32, #tpu.memory_space<vmem_shared>>) target(%dma_start3A_51 : memref<128x64xf32, #tpu.memory_space<vmem>>) offsets(%dma_start3A_54 : memref<128xi32, #tpu.memory_space<vmem>>) semaphore(%arg8 : memref<!tpu.dma_semaphore, #tpu.memory_space<semaphore_mem>>)
      %mul3A_58 = arith.constant 4 : i32
      %mul3A_59 = arith.muli %scan3A_10, %mul3A_58 : i32
      %add3A_60 = arith.constant 3 : i32
      %add3A_61 = arith.addi %mul3A_59, %add3A_60 : i32
      %dma_start3A_62 = arith.constant 0 : i32
      %dma_start3A_63 = arith.constant 384 : i32
      %dma_start3A_64 = arith.constant 0 : i32
      %dma_start3A_65 = tpu.memref_slice %arg6[%dma_start3A_62, %dma_start3A_63, %dma_start3A_64] : memref<2x512x64xf32, #tpu.memory_space<vmem>> -> memref<1x128x64xf32, #tpu.memory_space<vmem>>
      %dma_start3A_66 = tpu.memref_squeeze %dma_start3A_65 : memref<1x128x64xf32, #tpu.memory_space<vmem>> -> memref<128x64xf32, #tpu.memory_space<vmem>>
      %dma_start3A_67 = arith.constant 0 : i32
      %dma_start3A_68 = tpu.memref_slice %arg5[%add3A_61, %dma_start3A_67] : memref<384x128xi32, #tpu.memory_space<vmem>> -> memref<1x128xi32, #tpu.memory_space<vmem>>
      %dma_start3A_69 = tpu.memref_squeeze %dma_start3A_68 : memref<1x128xi32, #tpu.memory_space<vmem>> -> memref<128xi32, #tpu.memory_space<vmem>>
      %dma_start3A_70 = arith.constant 0 : i32
      %dma_start3A_71 = arith.constant 0 : i32
      %dma_start3A_72 = tpu.memref_slice %arg7[%dma_start3A_70, %dma_start3A_71] : memref<1000x64xf32, #tpu.memory_space<vmem_shared>> -> memref<1000x64xf32, #tpu.memory_space<vmem_shared>>
      tpu.enqueue_indirect_dma source(%dma_start3A_72 : memref<1000x64xf32, #tpu.memory_space<vmem_shared>>) target(%dma_start3A_66 : memref<128x64xf32, #tpu.memory_space<vmem>>) offsets(%dma_start3A_69 : memref<128xi32, #tpu.memory_space<vmem>>) semaphore(%arg8 : memref<!tpu.dma_semaphore, #tpu.memory_space<semaphore_mem>>)
      %dma_wait3A = arith.constant 0 : i32
      %dma_wait3A_73 = arith.constant 0 : i32
      %dma_wait3A_74 = arith.constant 0 : i32
      %dma_wait3A_75 = tpu.memref_slice %arg6[%dma_wait3A, %dma_wait3A_73, %dma_wait3A_74] : memref<2x512x64xf32, #tpu.memory_space<vmem>> -> memref<1x128x64xf32, #tpu.memory_space<vmem>>
      %dma_wait3A_76 = tpu.memref_squeeze %dma_wait3A_75 : memref<1x128x64xf32, #tpu.memory_space<vmem>> -> memref<128x64xf32, #tpu.memory_space<vmem>>
      %dma_wait3A_77 = arith.constant 0 : i32
      %dma_wait3A_78 = tpu.memref_slice %arg5[%add3A_17, %dma_wait3A_77] : memref<384x128xi32, #tpu.memory_space<vmem>> -> memref<1x128xi32, #tpu.memory_space<vmem>>
      %dma_wait3A_79 = tpu.memref_squeeze %dma_wait3A_78 : memref<1x128xi32, #tpu.memory_space<vmem>> -> memref<128xi32, #tpu.memory_space<vmem>>
      %dma_wait3A_80 = arith.constant 0 : i32
      %dma_wait3A_81 = arith.constant 0 : i32
      %dma_wait3A_82 = tpu.memref_slice %arg7[%dma_wait3A_80, %dma_wait3A_81] : memref<1000x64xf32, #tpu.memory_space<vmem_shared>> -> memref<1000x64xf32, #tpu.memory_space<vmem_shared>>
      tpu.wait_indirect_dma semaphore(%arg8 : memref<!tpu.dma_semaphore, #tpu.memory_space<semaphore_mem>>) src(%dma_wait3A_82 : memref<1000x64xf32, #tpu.memory_space<vmem_shared>>) dst(%dma_wait3A_76 : memref<128x64xf32, #tpu.memory_space<vmem>>)
      %dma_wait3A_83 = arith.constant 0 : i32
      %dma_wait3A_84 = arith.constant 128 : i32
      %dma_wait3A_85 = arith.constant 0 : i32
      %dma_wait3A_86 = tpu.memref_slice %arg6[%dma_wait3A_83, %dma_wait3A_84, %dma_wait3A_85] : memref<2x512x64xf32, #tpu.memory_space<vmem>> -> memref<1x128x64xf32, #tpu.memory_space<vmem>>
      %dma_wait3A_87 = tpu.memref_squeeze %dma_wait3A_86 : memref<1x128x64xf32, #tpu.memory_space<vmem>> -> memref<128x64xf32, #tpu.memory_space<vmem>>
      %dma_wait3A_88 = arith.constant 0 : i32
      %dma_wait3A_89 = tpu.memref_slice %arg5[%add3A_31, %dma_wait3A_88] : memref<384x128xi32, #tpu.memory_space<vmem>> -> memref<1x128xi32, #tpu.memory_space<vmem>>
      %dma_wait3A_90 = tpu.memref_squeeze %dma_wait3A_89 : memref<1x128xi32, #tpu.memory_space<vmem>> -> memref<128xi32, #tpu.memory_space<vmem>>
      %dma_wait3A_91 = arith.constant 0 : i32
      %dma_wait3A_92 = arith.constant 0 : i32
      %dma_wait3A_93 = tpu.memref_slice %arg7[%dma_wait3A_91, %dma_wait3A_92] : memref<1000x64xf32, #tpu.memory_space<vmem_shared>> -> memref<1000x64xf32, #tpu.memory_space<vmem_shared>>
      tpu.wait_indirect_dma semaphore(%arg8 : memref<!tpu.dma_semaphore, #tpu.memory_space<semaphore_mem>>) src(%dma_wait3A_93 : memref<1000x64xf32, #tpu.memory_space<vmem_shared>>) dst(%dma_wait3A_87 : memref<128x64xf32, #tpu.memory_space<vmem>>)
      %dma_wait3A_94 = arith.constant 0 : i32
      %dma_wait3A_95 = arith.constant 256 : i32
      %dma_wait3A_96 = arith.constant 0 : i32
      %dma_wait3A_97 = tpu.memref_slice %arg6[%dma_wait3A_94, %dma_wait3A_95, %dma_wait3A_96] : memref<2x512x64xf32, #tpu.memory_space<vmem>> -> memref<1x128x64xf32, #tpu.memory_space<vmem>>
      %dma_wait3A_98 = tpu.memref_squeeze %dma_wait3A_97 : memref<1x128x64xf32, #tpu.memory_space<vmem>> -> memref<128x64xf32, #tpu.memory_space<vmem>>
      %dma_wait3A_99 = arith.constant 0 : i32
      %dma_wait3A_100 = tpu.memref_slice %arg5[%add3A_46, %dma_wait3A_99] : memref<384x128xi32, #tpu.memory_space<vmem>> -> memref<1x128xi32, #tpu.memory_space<vmem>>
      %dma_wait3A_101 = tpu.memref_squeeze %dma_wait3A_100 : memref<1x128xi32, #tpu.memory_space<vmem>> -> memref<128xi32, #tpu.memory_space<vmem>>
      %dma_wait3A_102 = arith.constant 0 : i32
      %dma_wait3A_103 = arith.constant 0 : i32
      %dma_wait3A_104 = tpu.memref_slice %arg7[%dma_wait3A_102, %dma_wait3A_103] : memref<1000x64xf32, #tpu.memory_space<vmem_shared>> -> memref<1000x64xf32, #tpu.memory_space<vmem_shared>>
      tpu.wait_indirect_dma semaphore(%arg8 : memref<!tpu.dma_semaphore, #tpu.memory_space<semaphore_mem>>) src(%dma_wait3A_104 : memref<1000x64xf32, #tpu.memory_space<vmem_shared>>) dst(%dma_wait3A_98 : memref<128x64xf32, #tpu.memory_space<vmem>>)
      %dma_wait3A_105 = arith.constant 0 : i32
      %dma_wait3A_106 = arith.constant 384 : i32
      %dma_wait3A_107 = arith.constant 0 : i32
      %dma_wait3A_108 = tpu.memref_slice %arg6[%dma_wait3A_105, %dma_wait3A_106, %dma_wait3A_107] : memref<2x512x64xf32, #tpu.memory_space<vmem>> -> memref<1x128x64xf32, #tpu.memory_space<vmem>>
      %dma_wait3A_109 = tpu.memref_squeeze %dma_wait3A_108 : memref<1x128x64xf32, #tpu.memory_space<vmem>> -> memref<128x64xf32, #tpu.memory_space<vmem>>
      %dma_wait3A_110 = arith.constant 0 : i32
      %dma_wait3A_111 = tpu.memref_slice %arg5[%add3A_61, %dma_wait3A_110] : memref<384x128xi32, #tpu.memory_space<vmem>> -> memref<1x128xi32, #tpu.memory_space<vmem>>
      %dma_wait3A_112 = tpu.memref_squeeze %dma_wait3A_111 : memref<1x128xi32, #tpu.memory_space<vmem>> -> memref<128xi32, #tpu.memory_space<vmem>>
      %dma_wait3A_113 = arith.constant 0 : i32
      %dma_wait3A_114 = arith.constant 0 : i32
      %dma_wait3A_115 = tpu.memref_slice %arg7[%dma_wait3A_113, %dma_wait3A_114] : memref<1000x64xf32, #tpu.memory_space<vmem_shared>> -> memref<1000x64xf32, #tpu.memory_space<vmem_shared>>
      tpu.wait_indirect_dma semaphore(%arg8 : memref<!tpu.dma_semaphore, #tpu.memory_space<semaphore_mem>>) src(%dma_wait3A_115 : memref<1000x64xf32, #tpu.memory_space<vmem_shared>>) dst(%dma_wait3A_109 : memref<128x64xf32, #tpu.memory_space<vmem>>)
      %run_scoped3A = arith.constant 0 : i32
      "tpu.region"() ({
        %run_scoped3A_116 = tpu.sem_alloc : memref<!tpu.dma_semaphore, #tpu.memory_space<semaphore_mem>>
        %dma_start3A_117 = arith.constant 0 : i32
        %dma_start3A_118 = arith.constant 0 : i32
        %dma_start3A_119 = tpu.memref_slice %arg6[%run_scoped3A, %dma_start3A_117, %dma_start3A_118] : memref<2x512x64xf32, #tpu.memory_space<vmem>> -> memref<1x512x64xf32, #tpu.memory_space<vmem>>
        %dma_start3A_120 = tpu.memref_squeeze %dma_start3A_119 : memref<1x512x64xf32, #tpu.memory_space<vmem>> -> memref<512x64xf32, #tpu.memory_space<vmem>>
        %dma_start3A_121 = arith.constant 0 : i32
        %dma_start3A_122 = tpu.memref_slice %arg4[%mul3A_13, %dma_start3A_121] : memref<1572864x64xf32, #tpu.memory_space<hbm>> -> memref<512x64xf32, #tpu.memory_space<hbm>>
        %dma_start3A_123 = arith.constant 0 : i32
        %dma_start3A_124 = tpu.memref_slice %arg4[%mul3A_13, %dma_start3A_123] : memref<1572864x64xf32, #tpu.memory_space<hbm>> -> memref<512x64xf32, #tpu.memory_space<hbm>>
        %dma_start3A_125 = arith.constant 0 : i32
        %dma_start3A_126 = arith.constant 0 : i32
        %dma_start3A_127 = tpu.memref_slice %arg6[%run_scoped3A, %dma_start3A_125, %dma_start3A_126] : memref<2x512x64xf32, #tpu.memory_space<vmem>> -> memref<1x512x64xf32, #tpu.memory_space<vmem>>
        %dma_start3A_128 = tpu.memref_squeeze %dma_start3A_127 : memref<1x512x64xf32, #tpu.memory_space<vmem>> -> memref<512x64xf32, #tpu.memory_space<vmem>>
        tpu.enqueue_dma source(%dma_start3A_128 : memref<512x64xf32, #tpu.memory_space<vmem>>) target(%dma_start3A_124 : memref<512x64xf32, #tpu.memory_space<hbm>>) target_semaphore(%run_scoped3A_116 : memref<!tpu.dma_semaphore, #tpu.memory_space<semaphore_mem>>)
        %dma_wait3A_129 = arith.constant 0 : i32
        %dma_wait3A_130 = arith.constant 0 : i32
        %dma_wait3A_131 = tpu.memref_slice %arg6[%run_scoped3A, %dma_wait3A_129, %dma_wait3A_130] : memref<2x512x64xf32, #tpu.memory_space<vmem>> -> memref<1x512x64xf32, #tpu.memory_space<vmem>>
        %dma_wait3A_132 = tpu.memref_squeeze %dma_wait3A_131 : memref<1x512x64xf32, #tpu.memory_space<vmem>> -> memref<512x64xf32, #tpu.memory_space<vmem>>
        %dma_wait3A_133 = arith.constant 0 : i32
        %dma_wait3A_134 = tpu.memref_slice %arg4[%mul3A_13, %dma_wait3A_133] : memref<1572864x64xf32, #tpu.memory_space<hbm>> -> memref<512x64xf32, #tpu.memory_space<hbm>>
        %dma_wait3A_135 = arith.constant 0 : i32
        %dma_wait3A_136 = tpu.memref_slice %arg4[%mul3A_13, %dma_wait3A_135] : memref<1572864x64xf32, #tpu.memory_space<hbm>> -> memref<512x64xf32, #tpu.memory_space<hbm>>
        %dma_wait3A_137 = arith.constant 0 : i32
        %dma_wait3A_138 = arith.constant 0 : i32
        %dma_wait3A_139 = tpu.memref_slice %arg6[%run_scoped3A, %dma_wait3A_137, %dma_wait3A_138] : memref<2x512x64xf32, #tpu.memory_space<vmem>> -> memref<1x512x64xf32, #tpu.memory_space<vmem>>
        %dma_wait3A_140 = tpu.memref_squeeze %dma_wait3A_139 : memref<1x512x64xf32, #tpu.memory_space<vmem>> -> memref<512x64xf32, #tpu.memory_space<vmem>>
        tpu.wait_dma2 semaphore(%run_scoped3A_116 : memref<!tpu.dma_semaphore, #tpu.memory_space<semaphore_mem>>) src(%dma_wait3A_140 : memref<512x64xf32, #tpu.memory_space<vmem>>) dst(%dma_wait3A_136 : memref<512x64xf32, #tpu.memory_space<hbm>>)
        tpu.yield
      }) : () -> ()
    }
    %scan3A_9 = arith.constant 96 : i32
    return
  }
}

</mosaic_0001>

<sc_bundles>
// kernel: kernel.3.cloned.1.call-start
scs
__scs_entry_jumppad:
0x0: {  	(pc) =	sbr.rel $0x88, $3  }
0x1: {  	(tag) =	ssettag $0x0;
	lr =	simm.s32 $0x1  }
0x2: {  	[smem:$0x3F9D] =	sst lr;
	_ =	strace $0xD0000000  }
0x3: {  	_ = 	snop  }
0x4: {  	_ = 	snop  }
0x5: {  	_ = 	snop  }
0x6: {  	_ = 	snop  }
0x7: {  	_ = 	snop  }
__scs_overlays_trampoline_lowered:
0x8: {  	[smem:$0x3FAC] =	sst s0  }
0x9: {  	[smem:$0x3FAD] =	sst s1  }
0xa: {  	[smem:$0x3FAE] =	sst s2  }
0xb: {  	[smem:$0x3FAF] =	sst s3  }
0xc: {  	[smem:$0x3FB0] =	sst s4  }
0xd: {  	[smem:$0x3FB1] =	sst s5  }
0xe: {  	[smem:$0x3FB2] =	sst s6  }
0xf: {  	[smem:$0x3FB3] =	sst s7  }
0x10: {  	[smem:$0x3FB4] =	sst s8  }
0x11: {  	[smem:$0x3FB5] =	sst s9;
	s0 =	simm.s32 @!p0 $0x0  }
0x12: {  	s1 =	sld [smem:$0x3F9B];
	s0 =	simm.s32 @p0 $0x1  }
0x13: {  	[smem:$0x3FB6] =	sst s0;
	s0 =	simm.s32 @!p1 $0x0  }
0x14: {  	s2 =	sld [smem:$0x3F9A];
	s0 =	simm.s32 @p1 $0x1  }
0x15: {  	[smem:$0x3FB7] =	sst s0;
	s0 =	simm.s32 @!p2 $0x0  }
0x16: {  	s3 =	sld [smem:$0x3FDB];
	s0 =	simm.s32 @p2 $0x1  }
0x17: {  	s4 =	simm.s32 $0x1BF5;
	[smem:$0x3FB9] =	sst s0  }
0x18: {  	s0 =	sld [smem:$0x3F9C];
	_ =	swait.ge [sflag:s4], $0x0  }
0x19: {  	s7 =	sld [smem:$0x3F9D]  }
0x1a: {  	s8 =	sadd.s32 $0xFFFFE003, lr  }
0x1b: {  	s9 =	sadd.s32 $0xFFFFFEF7, lr;
	s5 =	simm.s32 $0xFFFFFFFF;
	p2 =	slt.u32 s8, $0xFFFFF086  }
0x1c: {  	p1 =	slt.u32 s9, $0xF7A;
	s5 =	simm.s32 @!p2 $0x0  }
0x1d: {  	s5 =	simm.s32 @p1 $0x1;
	p0 =	seq.s32 s7, s2  }
0x1e: {  	s7 =	smul.u32 @!p0 $0xF7A, s2;
	p2 =	seq.s32 @!p0 s5, $0x0  }
0x1f: {  	s9 =	smul.u32 $0xF7A, s1;
	s8 =	simm.s32 @!p0 $0x1BF5;
	p2 =	por !p2, p0  }
0x20: {  	[sflag:s8] =	ssyncset.s32 @!p0 $0xFFFFF086;
	s6 =	sadd.s32 @!p0 s3, s7;
	s7 =	simm.s32 @!p0 $0x108  }
0x21: {  	s3 =	sadd.s32 s3, s9;
	s6 =	sadd.s32 @!p0 $0x88, s6;
	s7 =	simm.s32 @p2 $0x1082  }
0x22: {  	[simem:s7], [sflag:s8] =	dma.local @!p0 [hbm:s6], $0xF7A  }
0x23: {  	s9 =	sor.u32 $0xD0000000, s2;
	s6 =	simm.s32 $0x108;
	_ =	swait.ge @!p0 [sflag:s8], $0x0  }
0x24: {  	s3 =	sadd.s32 $0x88, s3;
	s6 =	simm.s32 @!p1 $0x1082;
	[sflag:s4] =	ssyncset.s32 $0xFFFFF086  }
0x25: {  	[simem:s6], [sflag:s4] =	dma.local [hbm:s3], $0xF7A  }
0x26: {  	[smem:$0x3F9D] =	sst s1;
	(tag) =	ssettag s2;
	_ =	strace s9  }
0x27: {  	s1 =	sld [smem:$0x3FAD]  }
0x28: {  	s2 =	sld [smem:$0x3FAE]  }
0x29: {  	s4 =	sld [smem:$0x3FB0]  }
0x2a: {  	p0 =	seq.s32 s5, $0x0;
	s5 =	sld [smem:$0x3FB1]  }
0x2b: {  	s6 =	sld [smem:$0x3FB2]  }
0x2c: {  	s7 =	sld [smem:$0x3FB3]  }
0x2d: {  	s3 =	simm.s32 $0x108;
	s8 =	sld [smem:$0x3FB4]  }
0x2e: {  	s3 =	simm.s32 @!p0 $0x1082;
	s9 =	sld [smem:$0x3FB5]  }
0x2f: {  	lr =	sadd.s32 s0, s3;
	s0 =	sld [smem:$0x3FAC]  }
0x30: {  	s3 =	sld [smem:$0x3FAF]  }
0x31: {  	[smem:$0x3FB8] =	sst s10  }
0x32: {  	s10 =	sld [smem:$0x3FB6];
	_ =	sdelay $0x3  }
0x33: {  	p0 =	seq.s32 s10, $0x1;
	s10 =	sld [smem:$0x3FB8];
	_ =	sdelay $0x3  }
0x34: {  	[smem:$0x3FB8] =	sst s10  }
0x35: {  	s10 =	sld [smem:$0x3FB7];
	_ =	sdelay $0x3  }
0x36: {  	p1 =	seq.s32 s10, $0x1;
	s10 =	sld [smem:$0x3FB8];
	_ =	sdelay $0x3  }
0x37: {  	[smem:$0x3FB8] =	sst s10  }
0x38: {  	s10 =	sld [smem:$0x3FB9]  }
0x39: {  	_ = 	snop;
	(pc) =	sbr.ind lr, $3  }
0x3a: {  	_ = 	snop  }
0x3b: {  	_ = 	snop  }
0x3c: {  	p2 =	seq.s32 s10, $0x1;
	s10 =	sld [smem:$0x3FB8]  }
0x3d: {  	_ =	shalt  }
0x3e: {  	_ =	shalt  }
0x3f: {  	_ =	shalt  }
0x40: {  	_ =	shalt  }
0x41: {  	_ =	shalt  }
0x42: {  	_ =	shalt  }
0x43: {  	_ =	shalt  }
0x44: {  	_ =	shalt  }
0x45: {  	_ =	shalt  }
0x46: {  	_ =	shalt  }
0x47: {  	_ =	shalt  }
0x48: {  	_ =	shalt  }
0x49: {  	_ =	shalt  }
0x4a: {  	_ =	shalt  }
0x4b: {  	_ =	shalt  }
0x4c: {  	_ =	shalt  }
0x4d: {  	_ =	shalt  }
0x4e: {  	_ =	shalt  }
0x4f: {  	_ =	shalt  }
0x50: {  	_ =	shalt  }
0x51: {  	_ =	shalt  }
0x52: {  	_ =	shalt  }
0x53: {  	_ =	shalt  }
0x54: {  	_ =	shalt  }
0x55: {  	_ =	shalt  }
0x56: {  	_ =	shalt  }
0x57: {  	_ =	shalt  }
0x58: {  	_ =	shalt  }
0x59: {  	_ =	shalt  }
0x5a: {  	_ =	shalt  }
0x5b: {  	_ =	shalt  }
0x5c: {  	_ =	shalt  }
0x5d: {  	_ =	shalt  }
0x5e: {  	_ =	shalt  }
0x5f: {  	_ =	shalt  }
0x60: {  	_ =	shalt  }
0x61: {  	_ =	shalt  }
0x62: {  	_ =	shalt  }
0x63: {  	_ =	shalt  }
0x64: {  	_ =	shalt  }
0x65: {  	_ =	shalt  }
0x66: {  	_ =	shalt  }
0x67: {  	_ =	shalt  }
0x68: {  	_ =	shalt  }
0x69: {  	_ =	shalt  }
0x6a: {  	_ =	shalt  }
0x6b: {  	_ =	shalt  }
0x6c: {  	_ =	shalt  }
0x6d: {  	_ =	shalt  }
0x6e: {  	_ =	shalt  }
0x6f: {  	_ =	shalt  }
0x70: {  	_ =	shalt  }
0x71: {  	_ =	shalt  }
0x72: {  	_ =	shalt  }
0x73: {  	_ =	shalt  }
0x74: {  	_ =	shalt  }
0x75: {  	_ =	shalt  }
0x76: {  	_ =	shalt  }
0x77: {  	_ =	shalt  }
0x78: {  	_ =	shalt  }
0x79: {  	_ =	shalt  }
0x7a: {  	_ =	shalt  }
0x7b: {  	_ =	shalt  }
0x7c: {  	_ =	shalt  }
0x7d: {  	_ =	shalt  }
0x7e: {  	_ =	shalt  }
0x7f: {  	_ =	shalt  }
0x80: {  	_ =	shalt  }
0x81: {  	_ =	shalt  }
0x82: {  	_ =	shalt  }
0x83: {  	_ =	shalt  }
0x84: {  	_ =	shalt  }
0x85: {  	_ =	shalt  }
0x86: {  	_ =	shalt  }
0x87: {  	_ =	shalt  }
.Lfunc_end0:
.L_simem_size_0:
called_computation_lowered:
.L_overlay_start_0:
0x88: {  	s2 =	sld [smem:$0x3FD9]  }
0x89: {  	s3 =	sld [smem:$0x3FFE];
	_ =	sdelay $0x1  }
0x8a: {  	s1 =	srdreg.scid  }
0x8b: {  	s0 =	sand.u32 $0x1, s1  }
0x8c: {  	s17 =	sshll.u32 s0, $0xA;
	s2 =	sadd.s32 s3, s2  }
0x8d: {  	s2 =	sadd.s32 s2, s17  }
0x8e: {  	[smem:$0x3FC4] =	sst s2  }
0x8f: {  	_ = 	snop  }
0x90: {  	s2 =	sld [smem:$0x3FD0];
	(tm) =	ssettm $0x1  }
0x91: {  	s18 =	sld [smem:$0x3FFB];
	_ =	sdelay $0x3  }
0x92: {  	_ =	strace s18  }
0x93: {  	s3 =	sld [smem:$0x3FFC];
	_ =	sdelay $0x3  }
0x94: {  	_ =	strace s3  }
0x95: {  	s3 =	sld [smem:$0x3FFD];
	_ =	sdelay $0x3  }
0x96: {  	_ =	strace s3  }
0x97: {  	_ =	strace $0x8FFFFFFF  }
0x98: {  	s19 =	sld [smem:$0x3FDB];
	_ =	sdelay $0x1  }
0x99: {  	s4 =	simm.s32 $_scs_section_size  }
0x9a: {  	s5 =	simm.s32 $_size__tile_overlayer_lowered;
	s6 =	simm.s32 $_tile_overlayer_lowered  }
0x9b: {  	s22 =	simm.s32 $0x1BFF;
	s21 =	sshll.u32 s6, $0x1;
	s3 =	sadd.s32 s4, s19  }
0x9c: {  	s7 =	simm.s32 $0x0;
	s20 =	sshll.u32 s5, $0x1;
	s5 =	sadd.s32 s21, s3  }
0x9d: {  	[timem:s7], [sflag:s22] =	dma.local [hbm:s5], s20  }
0x9e: {  	_ =	swait.ge [sflag:s22], s20  }
0x9f: {  	s4 =	ssub.s32 $0x0, s20;
	[sflag:s22] =	ssyncset.done $0x0  }
0xa0: {  	[sflag:s22] =	ssyncadd.s32 s4;
	_ =	sdelay $0x1  }
0xa1: {  	s23 =	simm.s32 $0x1B8B  }
0xa2: {  	_ =	swait.ge [sflag:s23], $0x1  }
0xa3: {  	[sflag:s23] =	ssyncset.done $0x0  }
0xa4: {  	s25 =	simm.s32 $0x1B8E;
	s24 =	sld [smem:$0x3FFE];
	[sflag:s23] =	ssyncadd.s32 $0xFFFFFFFF  }
0xa5: {  	s26 =	simm.s32 $execute0_lowered;
	[smem:$0x3FD2] =	sst s25  }
0xa6: {  	s5 =	sshll.u32 s26, $0x1;
	_ =	strace $0x80000046;
	[dreg:$0x1] =	wrdreg $0xFFFFFFFF  }
0xa7: {  	s28 =	simm.s32 $_size_execute0_lowered;
	s3 =	sadd.s32 s3, s5;
	[dreg:$0x0] =	wrdreg $0x0  }
0xa8: {  	s5 =	sshll.u32 s28, $0x1;
	[dreg:$0x2] =	wrdreg s3  }
0xa9: {  	[dreg:$0x3] =	wrdreg s5  }
0xaa: {  	[dreg:$0x4] =	wrdreg $0xC0  }
0xab: {  	_ =	task [dreg:s7], $0x5FFFF  }
0xac: {  	[dreg:$0x1] =	wrdreg $0xFFFFFFFF  }
0xad: {  	[dreg:$0x0] =	wrdreg $0x60  }
0xae: {  	[dreg:$0x2] =	wrdreg s2  }
0xaf: {  	[dreg:$0x3] =	wrdreg s24  }
0xb0: {  	[dreg:$0x4] =	wrdreg $0x1C0000  }
0xb1: {  	[dreg:$0x5] =	wrdreg $0x9  }
0xb2: {  	_ =	task.clear_ibuf [dreg:s7], $0x6FFFF;
	_ =	strace $0x90000046  }
0xb3: {  	s29 =	simm.s32 $0x9;
	_ =	strace $0x80000048  }
0xb4: {  	_ =	swait.ge [sflag:s29], $0x1  }
0xb5: {  	[sflag:s29] =	ssyncadd.s32 $0xFFFFFFFF  }
0xb6: {  	_ =	strace $0x90000048  }
0xb7: {  	_ =	sfence  }
0xb8: {  	s30 =	sld [smem:$0x0];
	_ =	sdelay $0x2  }
0xb9: {  	s31 =	sshll.u32 s1, $0xD;
	s1 =	sshrl.u32 s1, $0x2  }
0xba: {  	s3 =	sand.u32 $0x4000, s31;
	s1 =	sadd.s32 s1, s30  }
0xbb: {  	s0 =	sor.u32 s3, s0;
	s1 =	sshll.u32 s1, $0x11  }
0xbc: {  	s0 =	sor.u32 s1, s0  }
0xbd: {  	s0 =	sadd.s32 $0x8F2B, s0  }
0xbe: {  	[sflag:s0] =	ssyncadd.remote.s32 $0x1  }
0xbf: {  	_ =	sfence.sel $0xFFFF  }
0xc0: {  	[dreg:$0x0] =	wrdreg $0xFFFFFFFF;
	(pc) =	sbr.abs _section_cstart, $3  }
0xc1: {  	[dreg:$0x1] =	wrdreg $0xFFFFFFFF  }
0xc2: {  	_ =	task.clear_ibuf [dreg:s7], $0x2FFFF;
	_ =	strace $0x9FFFFFFF  }
0xc3: {  	(tm) =	ssettm $0x7FFFFFFF  }
tec
execute0_lowered:
.L_overlay_start_1:
0x0: {  	(tag) =	ssettag $0x1  }
0x1: {  	s6 =	rddreg [dreg:$0x0]  }
0x2: {  	s5 =	rddreg [dreg:$0x1]  }
0x3: {  	s2 =	rddreg [dreg:$0x2]  }
0x4: {  	s0 =	rddreg [dreg:$0x3];
	s3 =	simm.s32 $0x0  }
0x5: {  	s1 =	stileid.u32;
	s8 =	srdreg.scid;
	s12 =	simm.s32 $0xC000  }
0x6: {  	s13 =	simm.s32 $0xE000;
	s14 =	simm.s32 $0x10000;
	s15 =	simm.s32 $0x12000  }
0x7: {  	s16 =	simm.s32 $0x1;
	s17 =	simm.s32 $0x0;
	[smem:$0x7FF] =	sst s3  }
0x8: {  	s7 =	smul.u32 $0xC0000, s1;
	s4 =	sadd.s32 $0x400, s5;
	s29 =	sand.u32 $0x1, s8  }
0x9: {  	s30 =	sshll.u32 s1, $0x1;
	s11 =	sshll.u32 s1, $0x6;
	_ =	strace $0x80000047  }
0xa: {  	s9 =	ssub.s32 $0x2, s29;
	s8 =	sor.u32 s29, s30;
	s10 =	smul.u32 $0x60000, s29  }
0xb: {  	s7 =	sadd.s32 s7, s5;
	s31 =	sshrl.u32 s9, $0x1;
	s8 =	smul.u32 $0x1800, s8  }
0xc: {  	s5 =	sor.u32 $0x1C02, s11;
	s11 =	simm.s32 $0x80;
	s9 =	ssub.s32 s9, s31  }
0xd: {  	s10 =	sadd.s32 s10, s7;
	s6 =	sadd.s32 s6, s8;
	s7 =	smax.u32 s9, $0x1  }
0xe: {  	s8 =	sadd.s32 $0x2400, s10;
	s9 =	sshrl.u32 s2, $0x3;
	s10 =	simm.s32 $0x2  }
.LBB2_1:
0xf: {  	[spmem:s9], [sflag:s5] =	dma.local [hbm:s4], $0x1F40  }
0x10: {  	_ =	swait.ge [sflag:s10], $0x1F40  }
0x11: {  	[sflag:s10] =	ssyncset.done $0x0  }
0x12: {  	[sflag:s10] =	ssyncadd.s32 $0xFFFFE0C0  }
0x13: {  	[tilespmem:s3], [sflag:$0x2] =	stream.linear.gather [hbm4b:s6+s3], $0xC000, $0x38;
	[tilespmem:$0x1CFA0] =	vst v63  }
0x14: {  	_ =	swait.ge [sflag:s10], $0xC000  }
0x15: {  	[sflag:s10] =	ssyncset.done $0x0  }
0x16: {  	[sflag:s10] =	ssyncadd.s32 $0xFFFF4000  }
0x17: {  	s18 =	simm.s32 $0x0;
	[bflag:$0x0] =	sbarrier.arrive $0xFFFF  }
0x18: {  	[tilespmem:s12], [sflag:$0x1] =	stream.indirect.gather [spmem:s2], $0x40, s18, s11, $0xb8;
	[tilespmem:$0x1CFA0] =	vst v63  }
0x19: {  	s28 =	simm.s32 $0x80  }
0x1a: {  	[tilespmem:s13], [sflag:$0x1] =	stream.indirect.gather [spmem:s2], $0x40, s28, s11, $0xb8;
	[tilespmem:$0x1CFA0] =	vst v63  }
0x1b: {  	s29 =	simm.s32 $0x100  }
0x1c: {  	[tilespmem:s14], [sflag:$0x1] =	stream.indirect.gather [spmem:s2], $0x40, s29, s11, $0xb8;
	[tilespmem:$0x1CFA0] =	vst v63  }
0x1d: {  	s30 =	simm.s32 $0x180  }
0x1e: {  	[tilespmem:s15], [sflag:$0x1] =	stream.indirect.gather [spmem:s2], $0x40, s30, s11, $0xb8;
	[tilespmem:$0x1CFA0] =	vst v63  }
0x1f: {  	_ =	swait.ge [sflag:s16], $0x2000  }
0x20: {  	[sflag:s16] =	ssyncset.done $0x0  }
0x21: {  	[sflag:s16] =	ssyncadd.s32 $0xFFFFE000  }
0x22: {  	_ =	swait.ge [sflag:s16], $0x2000  }
0x23: {  	[sflag:s16] =	ssyncset.done $0x0  }
0x24: {  	[sflag:s16] =	ssyncadd.s32 $0xFFFFE000  }
0x25: {  	_ =	swait.ge [sflag:s16], $0x2000  }
0x26: {  	[sflag:s16] =	ssyncset.done $0x0  }
0x27: {  	[sflag:s16] =	ssyncadd.s32 $0xFFFFE000  }
0x28: {  	_ =	swait.ge [sflag:s16], $0x2000  }
0x29: {  	[sflag:s16] =	ssyncset.done $0x0  }
0x2a: {  	s31 =	sadd.s32 $0x0, s8;
	[sflag:s16] =	ssyncadd.s32 $0xFFFFE000  }
0x2b: {  	[hbm4b:s31+s3] =	stream.linear.scatter [tilespmem:s12], [sflag:$0x2], $0x8000, $0x38;
	[tilespmem:$0x1CFA0] =	vst v63  }
0x2c: {  	s20 =	simm.s32 $0x2000;
	_ =	swait.ge [sflag:s10], $0x8000  }
0x2d: {  	s19 =	simm.s32 $0x380;
	s18 =	simm.s32 $0x1000;
	[sflag:s10] =	ssyncset.done $0x0  }
.LBB2_2:
0x2e: {  	p0 =	sne.s32 s20, $0x5F000;
	s21 =	sadd.s32 $0xFFFFFE80, s19;
	[sflag:s10] =	ssyncadd.s32 $0xFFFF8000  }
0x2f: {  	[tilespmem:s12], [sflag:$0x1] =	stream.indirect.gather [spmem:s2], $0x40, s21, s11, $0xb8;
	[tilespmem:$0x1CFA0] =	vst v63  }
0x30: {  	s22 =	smov.u32 s20;
	s20 =	sadd.s32 $0x1000, s20;
	s21 =	sadd.s32 $0xFFFFFF00, s19  }
0x31: {  	[tilespmem:s13], [sflag:$0x1] =	stream.indirect.gather [spmem:s2], $0x40, s21, s11, $0xb8;
	[tilespmem:$0x1CFA0] =	vst v63  }
0x32: {  	s21 =	sadd.s32 $0xFFFFFF80, s19  }
0x33: {  	[tilespmem:s14], [sflag:$0x1] =	stream.indirect.gather [spmem:s2], $0x40, s21, s11, $0xb8;
	[tilespmem:$0x1CFA0] =	vst v63  }
0x34: {  	_ = 	snop  }
0x35: {  	[tilespmem:s15], [sflag:$0x1] =	stream.indirect.gather [spmem:s2], $0x40, s19, s11, $0xb8;
	[tilespmem:$0x1CFA0] =	vst v63  }
0x36: {  	_ =	swait.ge [sflag:s16], $0x2000  }
0x37: {  	[sflag:s16] =	ssyncset.done $0x0  }
0x38: {  	[sflag:s16] =	ssyncadd.s32 $0xFFFFE000  }
0x39: {  	_ =	swait.ge [sflag:s16], $0x2000  }
0x3a: {  	[sflag:s16] =	ssyncset.done $0x0  }
0x3b: {  	[sflag:s16] =	ssyncadd.s32 $0xFFFFE000  }
0x3c: {  	_ =	swait.ge [sflag:s16], $0x2000  }
0x3d: {  	[sflag:s16] =	ssyncset.done $0x0  }
0x3e: {  	[sflag:s16] =	ssyncadd.s32 $0xFFFFE000  }
0x3f: {  	_ =	swait.ge [sflag:s16], $0x2000  }
.Ltmp0:
0x40: {  	[sflag:s16] =	ssyncset.done $0x0;
	(pc) =	sbr.rel @p0 .LBB2_2-.Ltmp0, $4  }
0x41: {  	s21 =	sadd.s32 s18, s8;
	s18 =	smov.u32 s22;
	[sflag:s16] =	ssyncadd.s32 $0xFFFFE000  }
0x42: {  	[hbm4b:s21+s3] =	stream.linear.scatter [tilespmem:s12], [sflag:$0x2], $0x8000, $0x38;
	[tilespmem:$0x1CFA0] =	vst v63  }
0x43: {  	_ =	swait.ge [sflag:s10], $0x8000  }
0x44: {  	s19 =	sadd.s32 $0x200, s19;
	[sflag:s10] =	ssyncset.done $0x0  }
0x45: {  	s20 =	sadd.s32 $0xFFFFFE80, s19;
	[sflag:s10] =	ssyncadd.s32 $0xFFFF8000  }
0x46: {  	[tilespmem:s12], [sflag:$0x1] =	stream.indirect.gather [spmem:s2], $0x40, s20, s11, $0xb8;
	[tilespmem:$0x1CFA0] =	vst v63  }
0x47: {  	s30 =	sadd.s32 $0xFFFFFF00, s19  }
0x48: {  	[tilespmem:s13], [sflag:$0x1] =	stream.indirect.gather [spmem:s2], $0x40, s30, s11, $0xb8;
	[tilespmem:$0x1CFA0] =	vst v63  }
0x49: {  	s31 =	sadd.s32 $0xFFFFFF80, s19  }
0x4a: {  	[tilespmem:s14], [sflag:$0x1] =	stream.indirect.gather [spmem:s2], $0x40, s31, s11, $0xb8;
	[tilespmem:$0x1CFA0] =	vst v63  }
0x4b: {  	_ = 	snop  }
0x4c: {  	[tilespmem:s15], [sflag:$0x1] =	stream.indirect.gather [spmem:s2], $0x40, s19, s11, $0xb8;
	[tilespmem:$0x1CFA0] =	vst v63  }
0x4d: {  	_ =	swait.ge [sflag:s16], $0x2000  }
0x4e: {  	[sflag:s16] =	ssyncset.done $0x0  }
0x4f: {  	[sflag:s16] =	ssyncadd.s32 $0xFFFFE000  }
0x50: {  	_ =	swait.ge [sflag:s16], $0x2000  }
0x51: {  	[sflag:s16] =	ssyncset.done $0x0  }
0x52: {  	[sflag:s16] =	ssyncadd.s32 $0xFFFFE000  }
0x53: {  	_ =	swait.ge [sflag:s16], $0x2000  }
0x54: {  	[sflag:s16] =	ssyncset.done $0x0  }
0x55: {  	[sflag:s16] =	ssyncadd.s32 $0xFFFFE000  }
0x56: {  	s17 =	sadd.s32 $0x1, s17;
	_ =	swait.ge [sflag:s16], $0x2000  }
0x57: {  	p0 =	sne.s32 s17, s7;
	[sflag:s16] =	ssyncset.done $0x0  }
.Ltmp1:
0x58: {  	s18 =	sadd.s32 s18, s8;
	[sflag:s16] =	ssyncadd.s32 $0xFFFFE000;
	(pc) =	sbr.rel @p0 .LBB2_1-.Ltmp1, $4  }
0x59: {  	[hbm4b:s18+s3] =	stream.linear.scatter [tilespmem:s12], [sflag:$0x2], $0x8000, $0x38;
	[tilespmem:$0x1CFA0] =	vst v63  }
0x5a: {  	_ =	swait.ge [sflag:s10], $0x8000  }
0x5b: {  	[sflag:s10] =	ssyncset.done $0x0  }
0x5c: {  	[sflag:s10] =	ssyncadd.s32 $0xFFFF8000  }
0x5d: {  	_ =	sfence.sel $0x180000  }
0x5e: {  	[bflag:$0x0] =	sbarrier.arrive $0xFFFF  }
0x5f: {  	p0 =	sne.s32 s1, $0x0;
	_ =	strace $0x90000047  }
0x60: {  	s0 =	sadd.s32 @!p0 $0x100000, s0;
	[bflag:$0x2] =	sbarrier.arrive $0xFFFF  }
0x61: {  	[sflag:s0] =	ssyncadd.tile.s32 @!p0 $0x1;
	_ =	shalt  }
.Lfunc_end2:
_tile_overlayer_lowered:
.L_overlay_start_2:
0x62: {  	(tag) =	ssettag $0x2  }
0x63: {  	s0 =	rddreg [dreg:$0x0];
	s2 =	stileid.u32  }
0x64: {  	s1 =	rddreg [dreg:$0x1];
	p0 =	sne.s32 s2, $0x0  }
0x65: {  	s3 =	rddreg [dreg:$0x2];
	[bflag:$0x3] =	sbarrier.arrive $0xFFFF;
	s2 =	simm.s32 @!p0 $0x1C02  }
0x66: {  	[timem:s3], [sflag:s2] =	dma.local @!p0 [hbm:s0], s1  }
0x67: {  	s0 =	simm.s32 @!p0 $0x2  }
0x68: {  	_ =	swait.ge @!p0 [sflag:s0], s1  }
0x69: {  	s1 =	ssub.s32 @!p0 $0x0, s1;
	[sflag:s0] =	ssyncset.done @!p0 $0x0  }
0x6a: {  	[sflag:s0] =	ssyncadd.s32 @!p0 s1  }
0x6b: {  	[bflag:$0x3] =	sbarrier.arrive $0xFFFF  }
0x6c: {  	_ =	shalt  }

</sc_bundles>
